<compile_context>
chip_gen: v7x
topology: tpu7x:2x2x1
jax: 0.10.2.dev20260603
libtpu: 0.0.44.dev20260713+nightly
codegen_flags: <defaults>
</compile_context>

<pallas_src>
import functools

import jax
import jax.numpy as jnp
from jax import lax
from jax.experimental import pallas as pl
from jax.experimental.pallas import tpu as pltpu
from jax.experimental.pallas import tpu_sc as plsc

_L = 16

_BIG = 131072


def _lse_body(n, w_hbm, out_ref, *scr):
    nbuf = len(scr) // 2
    bufs, sems = scr[:nbuf], scr[nbuf:]
    nfull = (n - 1) // _BIG
    tail = n - nfull * _BIG
    copies = []
    for i in range(nfull + 1):
        size = _BIG if i < nfull else tail
        c = pltpu.make_async_copy(
            w_hbm.at[pl.ds(i * _BIG, size)], bufs[i], sems[i]
        )
        c.start()
        copies.append(c)
    acc = None
    for i in range(nfull):
        copies[i].wait()
        x = jnp.exp(bufs[i][...])
        acc = x if acc is None else acc + x
    copies[nfull].wait()
    t = jnp.exp(bufs[nfull][...])
    acc = acc + jnp.concatenate([t, jnp.zeros((_BIG - tail,), jnp.float32)])
    m = _BIG
    while m > 2048:
        m //= 2
        acc = acc[:m] + acc[m:]
    out_ref[...] = jnp.full((_L,), jnp.log(jnp.sum(acc)))


@functools.lru_cache(maxsize=None)
def _make_lse(n):
    nfull = (n - 1) // _BIG
    tail = n - nfull * _BIG
    bufs = [pltpu.VMEM((_BIG,), jnp.float32) for _ in range(nfull)]
    bufs.append(pltpu.VMEM((tail,), jnp.float32))
    sems = [pltpu.SemaphoreType.DMA for _ in range(nfull + 1)]
    return pl.pallas_call(
        functools.partial(_lse_body, n),
        out_shape=jax.ShapeDtypeStruct((_L,), jnp.float32),
        in_specs=[pl.BlockSpec(memory_space=pl.ANY)],
        out_specs=pl.BlockSpec(memory_space=pltpu.VMEM),
        scratch_shapes=bufs + sems,
    )


_NQ = 2


@functools.lru_cache(maxsize=None)
def _make_gather_sub(n_idx, b_per_w, nc):
    mesh = plsc.VectorSubcoreMesh(core_axis_name="c", subcore_axis_name="s")
    q = b_per_w // _NQ

    @functools.partial(
        pl.kernel,
        mesh=mesh,
        out_type=jax.ShapeDtypeStruct((n_idx,), jnp.float32),
        scratch_types=(
            [pltpu.VMEM((q,), jnp.int32) for _ in range(_NQ)]
            + [pltpu.VMEM((q,), jnp.float32) for _ in range(_NQ)]
            + [pltpu.VMEM((_L,), jnp.float32)]
            + [pltpu.SemaphoreType.DMA for _ in range(_NQ + 2)]
        ),
    )
    def gather_sub(idx_hbm, den_hbm, w_hbm, out_hbm, *scr):
        idxb, vals = scr[:_NQ], scr[_NQ:2 * _NQ]
        den_v = scr[2 * _NQ]
        gs, sd, so = scr[2 * _NQ + 1:-2], scr[-2], scr[-1]
        wid = lax.axis_index("s") * nc + lax.axis_index("c")
        base = wid * b_per_w
        cis = [
            pltpu.async_copy(idx_hbm.at[pl.ds(base + k * q, q)], idxb[k], gs[k])
            for k in range(_NQ)
        ]
        cd = pltpu.async_copy(den_hbm, den_v, sd)
        gth = []
        for k in range(_NQ):
            cis[k].wait()
            gth.append(pltpu.async_copy(w_hbm.at[idxb[k]], vals[k], gs[k]))
        cd.wait()
        d = den_v[...]
        cos = []
        for k in range(_NQ):
            gth[k].wait()
            for j in range(q // _L):
                sl = pl.ds(j * _L, _L)
                vals[k][sl] = vals[k][sl] - d
            cos.append(
                pltpu.async_copy(vals[k], out_hbm.at[pl.ds(base + k * q, q)], so)
            )
        for c in cos:
            c.wait()

    return gather_sub


def kernel(inputs, w):
    idx = inputs.reshape(-1)
    b = idx.shape[0]

    den = _make_lse(w.shape[0])(w)

    info = plsc.get_sparse_core_info()
    nw = info.num_cores * info.num_subcores
    return _make_gather_sub(b, b // nw, info.num_cores)(idx, den, w)

# --- scband reference (transcript-rebuilt; emitter-appended) ---
"""Pipeline reference for scband-marginal-52527450030355 (READ-ONLY COPY).

The authoritative reference and input builder live on the scoring server;
editing this copy changes nothing except your own understanding.
"""

import jax, jax.numpy as jnp
import numpy as np


def setup_inputs(seed: int = 0) -> dict:
    key = jax.random.key(seed)
    k1, k2 = jax.random.split(key)
    inputs = jax.random.randint(k1, (16384, 1), 0, 1000000, dtype=jnp.int32)
    # learned parameter w of size N (original init is zeros; use small random for a non-degenerate run)
    w = jax.random.normal(k2, (1000000,), dtype=jnp.float32) * 0.01
    return {"inputs": inputs, "w": w}


def reference(inputs, w):
    # logsoftmax over the marginal table, gathered at the given indices
    denom = jax.scipy.special.logsumexp(w, axis=0)
    idx = jnp.squeeze(inputs, axis=1)
    return jnp.take(w, idx, axis=0) - denom

if __name__ == "__main__":
    import jax
    _d = setup_inputs()
    print(jax.jit(kernel)(*tuple(_d.values())))

</pallas_src>

<mosaic_0001>
#map = affine_map<(d0, d1) -> (0)>
module attributes {stable_mosaic.version = 14 : i64} {
  func.func @gather_sub(%arg0: i32, %arg1: i32, %arg2: memref<16384xi32, #tpu.memory_space<hbm>>, %arg3: memref<16xf32, #tpu.memory_space<hbm>>, %arg4: memref<1000000xf32, #tpu.memory_space<hbm>>, %arg5: memref<16384xf32, #tpu.memory_space<hbm>>, %arg6: memref<256xi32, #tpu.memory_space<vmem>>, %arg7: memref<256xi32, #tpu.memory_space<vmem>>, %arg8: memref<256xf32, #tpu.memory_space<vmem>>, %arg9: memref<256xf32, #tpu.memory_space<vmem>>, %arg10: memref<16xf32, #tpu.memory_space<vmem>>, %arg11: memref<!tpu.dma_semaphore, #tpu.memory_space<semaphore_mem>>, %arg12: memref<!tpu.dma_semaphore, #tpu.memory_space<semaphore_mem>>, %arg13: memref<!tpu.dma_semaphore, #tpu.memory_space<semaphore_mem>>, %arg14: memref<!tpu.dma_semaphore, #tpu.memory_space<semaphore_mem>>) attributes {dimension_semantics = [#tpu.dimension_semantics<core_parallel>, #tpu.dimension_semantics<subcore_parallel>], iteration_bounds = array<i64: 2, 16>, scalar_prefetch = 0 : i64, scratch_operands = 9 : i64, tpu.core_type = #tpu.core_type<sc_vector_subcore>, window_params = [{transform_indices = #map}, {transform_indices = #map}, {transform_indices = #map}, {transform_indices = #map}]} {
    %mul3A = arith.constant 2 : i32
    %mul3A_0 = arith.muli %arg1, %mul3A : i32
    %add3A = arith.addi %mul3A_0, %arg0 : i32
    %mul3A_1 = arith.constant 512 : i32
    %mul3A_2 = arith.muli %add3A, %mul3A_1 : i32
    %add3A_3 = arith.constant 0 : i32
    %add3A_4 = arith.addi %mul3A_2, %add3A_3 : i32
    %dma_start3A = tpu.memref_slice %arg2[%add3A_4] : memref<16384xi32, #tpu.memory_space<hbm>> -> memref<256xi32, #tpu.memory_space<hbm>>
    %dma_start3A_5 = tpu.memref_slice %arg2[%add3A_4] : memref<16384xi32, #tpu.memory_space<hbm>> -> memref<256xi32, #tpu.memory_space<hbm>>
    tpu.enqueue_dma source(%dma_start3A_5 : memref<256xi32, #tpu.memory_space<hbm>>) target(%arg6 : memref<256xi32, #tpu.memory_space<vmem>>) target_semaphore(%arg11 : memref<!tpu.dma_semaphore, #tpu.memory_space<semaphore_mem>>)
    %add3A_6 = arith.constant 256 : i32
    %add3A_7 = arith.addi %mul3A_2, %add3A_6 : i32
    %dma_start3A_8 = tpu.memref_slice %arg2[%add3A_7] : memref<16384xi32, #tpu.memory_space<hbm>> -> memref<256xi32, #tpu.memory_space<hbm>>
    %dma_start3A_9 = tpu.memref_slice %arg2[%add3A_7] : memref<16384xi32, #tpu.memory_space<hbm>> -> memref<256xi32, #tpu.memory_space<hbm>>
    tpu.enqueue_dma source(%dma_start3A_9 : memref<256xi32, #tpu.memory_space<hbm>>) target(%arg7 : memref<256xi32, #tpu.memory_space<vmem>>) target_semaphore(%arg12 : memref<!tpu.dma_semaphore, #tpu.memory_space<semaphore_mem>>)
    tpu.enqueue_dma source(%arg3 : memref<16xf32, #tpu.memory_space<hbm>>) target(%arg10 : memref<16xf32, #tpu.memory_space<vmem>>) target_semaphore(%arg13 : memref<!tpu.dma_semaphore, #tpu.memory_space<semaphore_mem>>)
    %dma_wait3A = tpu.memref_slice %arg2[%add3A_4] : memref<16384xi32, #tpu.memory_space<hbm>> -> memref<256xi32, #tpu.memory_space<hbm>>
    %dma_wait3A_10 = tpu.memref_slice %arg2[%add3A_4] : memref<16384xi32, #tpu.memory_space<hbm>> -> memref<256xi32, #tpu.memory_space<hbm>>
    tpu.wait_dma2 semaphore(%arg11 : memref<!tpu.dma_semaphore, #tpu.memory_space<semaphore_mem>>) src(%dma_wait3A_10 : memref<256xi32, #tpu.memory_space<hbm>>) dst(%arg6 : memref<256xi32, #tpu.memory_space<vmem>>)
    %dma_start3A_11 = arith.constant 0 : i32
    %dma_start3A_12 = tpu.memref_slice %arg4[%dma_start3A_11] : memref<1000000xf32, #tpu.memory_space<hbm>> -> memref<1000000xf32, #tpu.memory_space<hbm>>
    tpu.enqueue_indirect_dma source(%dma_start3A_12 : memref<1000000xf32, #tpu.memory_space<hbm>>) target(%arg8 : memref<256xf32, #tpu.memory_space<vmem>>) offsets(%arg6 : memref<256xi32, #tpu.memory_space<vmem>>) semaphore(%arg11 : memref<!tpu.dma_semaphore, #tpu.memory_space<semaphore_mem>>)
    %dma_wait3A_13 = tpu.memref_slice %arg2[%add3A_7] : memref<16384xi32, #tpu.memory_space<hbm>> -> memref<256xi32, #tpu.memory_space<hbm>>
    %dma_wait3A_14 = tpu.memref_slice %arg2[%add3A_7] : memref<16384xi32, #tpu.memory_space<hbm>> -> memref<256xi32, #tpu.memory_space<hbm>>
    tpu.wait_dma2 semaphore(%arg12 : memref<!tpu.dma_semaphore, #tpu.memory_space<semaphore_mem>>) src(%dma_wait3A_14 : memref<256xi32, #tpu.memory_space<hbm>>) dst(%arg7 : memref<256xi32, #tpu.memory_space<vmem>>)
    %dma_start3A_15 = arith.constant 0 : i32
    %dma_start3A_16 = tpu.memref_slice %arg4[%dma_start3A_15] : memref<1000000xf32, #tpu.memory_space<hbm>> -> memref<1000000xf32, #tpu.memory_space<hbm>>
    tpu.enqueue_indirect_dma source(%dma_start3A_16 : memref<1000000xf32, #tpu.memory_space<hbm>>) target(%arg9 : memref<256xf32, #tpu.memory_space<vmem>>) offsets(%arg7 : memref<256xi32, #tpu.memory_space<vmem>>) semaphore(%arg12 : memref<!tpu.dma_semaphore, #tpu.memory_space<semaphore_mem>>)
    tpu.wait_dma2 semaphore(%arg13 : memref<!tpu.dma_semaphore, #tpu.memory_space<semaphore_mem>>) src(%arg3 : memref<16xf32, #tpu.memory_space<hbm>>) dst(%arg10 : memref<16xf32, #tpu.memory_space<vmem>>)
    %get3A = arith.constant 0 : index
    %get3A_17 = tpu.vector_load %arg10[%get3A] {strides = array<i32>} : memref<16xf32, #tpu.memory_space<vmem>>, vector<16xf32>,
    %get3A_18 = vector.shape_cast %get3A_17 : vector<16xf32> to vector<16xf32>
    %dma_wait3A_19 = arith.constant 0 : i32
    %dma_wait3A_20 = tpu.memref_slice %arg4[%dma_wait3A_19] : memref<1000000xf32, #tpu.memory_space<hbm>> -> memref<1000000xf32, #tpu.memory_space<hbm>>
    tpu.wait_indirect_dma semaphore(%arg11 : memref<!tpu.dma_semaphore, #tpu.memory_space<semaphore_mem>>) src(%dma_wait3A_20 : memref<1000000xf32, #tpu.memory_space<hbm>>) dst(%arg8 : memref<256xf32, #tpu.memory_space<vmem>>)
    %get3A_21 = arith.constant 0 : index
    %get3A_22 = tpu.vector_load %arg8[%get3A_21] {strides = array<i32>} : memref<256xf32, #tpu.memory_space<vmem>>, vector<16xf32>,
    %get3A_23 = vector.shape_cast %get3A_22 : vector<16xf32> to vector<16xf32>
    %sub3A = arith.subf %get3A_23, %get3A_18 : vector<16xf32>
    %swap3A = arith.constant 0 : index
    %swap3A_24 = tpu.vector_load %arg8[%swap3A] {strides = array<i32>} : memref<256xf32, #tpu.memory_space<vmem>>, vector<16xf32>,
    %swap3A_25 = vector.shape_cast %swap3A_24 : vector<16xf32> to vector<16xf32>
    %swap3A_26 = vector.shape_cast %sub3A : vector<16xf32> to vector<16xf32>
    tpu.vector_store %arg8[%swap3A], %swap3A_26 {strides = array<i32>} : memref<256xf32, #tpu.memory_space<vmem>>, vector<16xf32>,
    %get3A_27 = arith.constant 16 : index
    %get3A_28 = tpu.vector_load %arg8[%get3A_27] {strides = array<i32>} : memref<256xf32, #tpu.memory_space<vmem>>, vector<16xf32>,
    %get3A_29 = vector.shape_cast %get3A_28 : vector<16xf32> to vector<16xf32>
    %sub3A_30 = arith.subf %get3A_29, %get3A_18 : vector<16xf32>
    %swap3A_31 = arith.constant 16 : index
    %swap3A_32 = tpu.vector_load %arg8[%swap3A_31] {strides = array<i32>} : memref<256xf32, #tpu.memory_space<vmem>>, vector<16xf32>,
    %swap3A_33 = vector.shape_cast %swap3A_32 : vector<16xf32> to vector<16xf32>
    %swap3A_34 = vector.shape_cast %sub3A_30 : vector<16xf32> to vector<16xf32>
    tpu.vector_store %arg8[%swap3A_31], %swap3A_34 {strides = array<i32>} : memref<256xf32, #tpu.memory_space<vmem>>, vector<16xf32>,
    %get3A_35 = arith.constant 32 : index
    %get3A_36 = tpu.vector_load %arg8[%get3A_35] {strides = array<i32>} : memref<256xf32, #tpu.memory_space<vmem>>, vector<16xf32>,
    %get3A_37 = vector.shape_cast %get3A_36 : vector<16xf32> to vector<16xf32>
    %sub3A_38 = arith.subf %get3A_37, %get3A_18 : vector<16xf32>
    %swap3A_39 = arith.constant 32 : index
    %swap3A_40 = tpu.vector_load %arg8[%swap3A_39] {strides = array<i32>} : memref<256xf32, #tpu.memory_space<vmem>>, vector<16xf32>,
    %swap3A_41 = vector.shape_cast %swap3A_40 : vector<16xf32> to vector<16xf32>
    %swap3A_42 = vector.shape_cast %sub3A_38 : vector<16xf32> to vector<16xf32>
    tpu.vector_store %arg8[%swap3A_39], %swap3A_42 {strides = array<i32>} : memref<256xf32, #tpu.memory_space<vmem>>, vector<16xf32>,
    %get3A_43 = arith.constant 48 : index
    %get3A_44 = tpu.vector_load %arg8[%get3A_43] {strides = array<i32>} : memref<256xf32, #tpu.memory_space<vmem>>, vector<16xf32>,
    %get3A_45 = vector.shape_cast %get3A_44 : vector<16xf32> to vector<16xf32>
    %sub3A_46 = arith.subf %get3A_45, %get3A_18 : vector<16xf32>
    %swap3A_47 = arith.constant 48 : index
    %swap3A_48 = tpu.vector_load %arg8[%swap3A_47] {strides = array<i32>} : memref<256xf32, #tpu.memory_space<vmem>>, vector<16xf32>,
    %swap3A_49 = vector.shape_cast %swap3A_48 : vector<16xf32> to vector<16xf32>
    %swap3A_50 = vector.shape_cast %sub3A_46 : vector<16xf32> to vector<16xf32>
    tpu.vector_store %arg8[%swap3A_47], %swap3A_50 {strides = array<i32>} : memref<256xf32, #tpu.memory_space<vmem>>, vector<16xf32>,
    %get3A_51 = arith.constant 64 : index
    %get3A_52 = tpu.vector_load %arg8[%get3A_51] {strides = array<i32>} : memref<256xf32, #tpu.memory_space<vmem>>, vector<16xf32>,
    %get3A_53 = vector.shape_cast %get3A_52 : vector<16xf32> to vector<16xf32>
    %sub3A_54 = arith.subf %get3A_53, %get3A_18 : vector<16xf32>
    %swap3A_55 = arith.constant 64 : index
    %swap3A_56 = tpu.vector_load %arg8[%swap3A_55] {strides = array<i32>} : memref<256xf32, #tpu.memory_space<vmem>>, vector<16xf32>,
    %swap3A_57 = vector.shape_cast %swap3A_56 : vector<16xf32> to vector<16xf32>
    %swap3A_58 = vector.shape_cast %sub3A_54 : vector<16xf32> to vector<16xf32>
    tpu.vector_store %arg8[%swap3A_55], %swap3A_58 {strides = array<i32>} : memref<256xf32, #tpu.memory_space<vmem>>, vector<16xf32>,
    %get3A_59 = arith.constant 80 : index
    %get3A_60 = tpu.vector_load %arg8[%get3A_59] {strides = array<i32>} : memref<256xf32, #tpu.memory_space<vmem>>, vector<16xf32>,
    %get3A_61 = vector.shape_cast %get3A_60 : vector<16xf32> to vector<16xf32>
    %sub3A_62 = arith.subf %get3A_61, %get3A_18 : vector<16xf32>
    %swap3A_63 = arith.constant 80 : index
    %swap3A_64 = tpu.vector_load %arg8[%swap3A_63] {strides = array<i32>} : memref<256xf32, #tpu.memory_space<vmem>>, vector<16xf32>,
    %swap3A_65 = vector.shape_cast %swap3A_64 : vector<16xf32> to vector<16xf32>
    %swap3A_66 = vector.shape_cast %sub3A_62 : vector<16xf32> to vector<16xf32>
    tpu.vector_store %arg8[%swap3A_63], %swap3A_66 {strides = array<i32>} : memref<256xf32, #tpu.memory_space<vmem>>, vector<16xf32>,
    %get3A_67 = arith.constant 96 : index
    %get3A_68 = tpu.vector_load %arg8[%get3A_67] {strides = array<i32>} : memref<256xf32, #tpu.memory_space<vmem>>, vector<16xf32>,
    %get3A_69 = vector.shape_cast %get3A_68 : vector<16xf32> to vector<16xf32>
    %sub3A_70 = arith.subf %get3A_69, %get3A_18 : vector<16xf32>
    %swap3A_71 = arith.constant 96 : index
    %swap3A_72 = tpu.vector_load %arg8[%swap3A_71] {strides = array<i32>} : memref<256xf32, #tpu.memory_space<vmem>>, vector<16xf32>,
    %swap3A_73 = vector.shape_cast %swap3A_72 : vector<16xf32> to vector<16xf32>
    %swap3A_74 = vector.shape_cast %sub3A_70 : vector<16xf32> to vector<16xf32>
    tpu.vector_store %arg8[%swap3A_71], %swap3A_74 {strides = array<i32>} : memref<256xf32, #tpu.memory_space<vmem>>, vector<16xf32>,
    %get3A_75 = arith.constant 112 : index
    %get3A_76 = tpu.vector_load %arg8[%get3A_75] {strides = array<i32>} : memref<256xf32, #tpu.memory_space<vmem>>, vector<16xf32>,
    %get3A_77 = vector.shape_cast %get3A_76 : vector<16xf32> to vector<16xf32>
    %sub3A_78 = arith.subf %get3A_77, %get3A_18 : vector<16xf32>
    %swap3A_79 = arith.constant 112 : index
    %swap3A_80 = tpu.vector_load %arg8[%swap3A_79] {strides = array<i32>} : memref<256xf32, #tpu.memory_space<vmem>>, vector<16xf32>,
    %swap3A_81 = vector.shape_cast %swap3A_80 : vector<16xf32> to vector<16xf32>
    %swap3A_82 = vector.shape_cast %sub3A_78 : vector<16xf32> to vector<16xf32>
    tpu.vector_store %arg8[%swap3A_79], %swap3A_82 {strides = array<i32>} : memref<256xf32, #tpu.memory_space<vmem>>, vector<16xf32>,
    %get3A_83 = arith.constant 128 : index
    %get3A_84 = tpu.vector_load %arg8[%get3A_83] {strides = array<i32>} : memref<256xf32, #tpu.memory_space<vmem>>, vector<16xf32>,
    %get3A_85 = vector.shape_cast %get3A_84 : vector<16xf32> to vector<16xf32>
    %sub3A_86 = arith.subf %get3A_85, %get3A_18 : vector<16xf32>
    %swap3A_87 = arith.constant 128 : index
    %swap3A_88 = tpu.vector_load %arg8[%swap3A_87] {strides = array<i32>} : memref<256xf32, #tpu.memory_space<vmem>>, vector<16xf32>,
    %swap3A_89 = vector.shape_cast %swap3A_88 : vector<16xf32> to vector<16xf32>
    %swap3A_90 = vector.shape_cast %sub3A_86 : vector<16xf32> to vector<16xf32>
    tpu.vector_store %arg8[%swap3A_87], %swap3A_90 {strides = array<i32>} : memref<256xf32, #tpu.memory_space<vmem>>, vector<16xf32>,
    %get3A_91 = arith.constant 144 : index
    %get3A_92 = tpu.vector_load %arg8[%get3A_91] {strides = array<i32>} : memref<256xf32, #tpu.memory_space<vmem>>, vector<16xf32>,
    %get3A_93 = vector.shape_cast %get3A_92 : vector<16xf32> to vector<16xf32>
    %sub3A_94 = arith.subf %get3A_93, %get3A_18 : vector<16xf32>
    %swap3A_95 = arith.constant 144 : index
    %swap3A_96 = tpu.vector_load %arg8[%swap3A_95] {strides = array<i32>} : memref<256xf32, #tpu.memory_space<vmem>>, vector<16xf32>,
    %swap3A_97 = vector.shape_cast %swap3A_96 : vector<16xf32> to vector<16xf32>
    %swap3A_98 = vector.shape_cast %sub3A_94 : vector<16xf32> to vector<16xf32>
    tpu.vector_store %arg8[%swap3A_95], %swap3A_98 {strides = array<i32>} : memref<256xf32, #tpu.memory_space<vmem>>, vector<16xf32>,
    %get3A_99 = arith.constant 160 : index
    %get3A_100 = tpu.vector_load %arg8[%get3A_99] {strides = array<i32>} : memref<256xf32, #tpu.memory_space<vmem>>, vector<16xf32>,
    %get3A_101 = vector.shape_cast %get3A_100 : vector<16xf32> to vector<16xf32>
    %sub3A_102 = arith.subf %get3A_101, %get3A_18 : vector<16xf32>
    %swap3A_103 = arith.constant 160 : index
    %swap3A_104 = tpu.vector_load %arg8[%swap3A_103] {strides = array<i32>} : memref<256xf32, #tpu.memory_space<vmem>>, vector<16xf32>,
    %swap3A_105 = vector.shape_cast %swap3A_104 : vector<16xf32> to vector<16xf32>
    %swap3A_106 = vector.shape_cast %sub3A_102 : vector<16xf32> to vector<16xf32>
    tpu.vector_store %arg8[%swap3A_103], %swap3A_106 {strides = array<i32>} : memref<256xf32, #tpu.memory_space<vmem>>, vector<16xf32>,
    %get3A_107 = arith.constant 176 : index
    %get3A_108 = tpu.vector_load %arg8[%get3A_107] {strides = array<i32>} : memref<256xf32, #tpu.memory_space<vmem>>, vector<16xf32>,
    %get3A_109 = vector.shape_cast %get3A_108 : vector<16xf32> to vector<16xf32>
    %sub3A_110 = arith.subf %get3A_109, %get3A_18 : vector<16xf32>
    %swap3A_111 = arith.constant 176 : index
    %swap3A_112 = tpu.vector_load %arg8[%swap3A_111] {strides = array<i32>} : memref<256xf32, #tpu.memory_space<vmem>>, vector<16xf32>,
    %swap3A_113 = vector.shape_cast %swap3A_112 : vector<16xf32> to vector<16xf32>
    %swap3A_114 = vector.shape_cast %sub3A_110 : vector<16xf32> to vector<16xf32>
    tpu.vector_store %arg8[%swap3A_111], %swap3A_114 {strides = array<i32>} : memref<256xf32, #tpu.memory_space<vmem>>, vector<16xf32>,
    %get3A_115 = arith.constant 192 : index
    %get3A_116 = tpu.vector_load %arg8[%get3A_115] {strides = array<i32>} : memref<256xf32, #tpu.memory_space<vmem>>, vector<16xf32>,
    %get3A_117 = vector.shape_cast %get3A_116 : vector<16xf32> to vector<16xf32>
    %sub3A_118 = arith.subf %get3A_117, %get3A_18 : vector<16xf32>
    %swap3A_119 = arith.constant 192 : index
    %swap3A_120 = tpu.vector_load %arg8[%swap3A_119] {strides = array<i32>} : memref<256xf32, #tpu.memory_space<vmem>>, vector<16xf32>,
    %swap3A_121 = vector.shape_cast %swap3A_120 : vector<16xf32> to vector<16xf32>
    %swap3A_122 = vector.shape_cast %sub3A_118 : vector<16xf32> to vector<16xf32>
    tpu.vector_store %arg8[%swap3A_119], %swap3A_122 {strides = array<i32>} : memref<256xf32, #tpu.memory_space<vmem>>, vector<16xf32>,
    %get3A_123 = arith.constant 208 : index
    %get3A_124 = tpu.vector_load %arg8[%get3A_123] {strides = array<i32>} : memref<256xf32, #tpu.memory_space<vmem>>, vector<16xf32>,
    %get3A_125 = vector.shape_cast %get3A_124 : vector<16xf32> to vector<16xf32>
    %sub3A_126 = arith.subf %get3A_125, %get3A_18 : vector<16xf32>
    %swap3A_127 = arith.constant 208 : index
    %swap3A_128 = tpu.vector_load %arg8[%swap3A_127] {strides = array<i32>} : memref<256xf32, #tpu.memory_space<vmem>>, vector<16xf32>,
    %swap3A_129 = vector.shape_cast %swap3A_128 : vector<16xf32> to vector<16xf32>
    %swap3A_130 = vector.shape_cast %sub3A_126 : vector<16xf32> to vector<16xf32>
    tpu.vector_store %arg8[%swap3A_127], %swap3A_130 {strides = array<i32>} : memref<256xf32, #tpu.memory_space<vmem>>, vector<16xf32>,
    %get3A_131 = arith.constant 224 : index
    %get3A_132 = tpu.vector_load %arg8[%get3A_131] {strides = array<i32>} : memref<256xf32, #tpu.memory_space<vmem>>, vector<16xf32>,
    %get3A_133 = vector.shape_cast %get3A_132 : vector<16xf32> to vector<16xf32>
    %sub3A_134 = arith.subf %get3A_133, %get3A_18 : vector<16xf32>
    %swap3A_135 = arith.constant 224 : index
    %swap3A_136 = tpu.vector_load %arg8[%swap3A_135] {strides = array<i32>} : memref<256xf32, #tpu.memory_space<vmem>>, vector<16xf32>,
    %swap3A_137 = vector.shape_cast %swap3A_136 : vector<16xf32> to vector<16xf32>
    %swap3A_138 = vector.shape_cast %sub3A_134 : vector<16xf32> to vector<16xf32>
    tpu.vector_store %arg8[%swap3A_135], %swap3A_138 {strides = array<i32>} : memref<256xf32, #tpu.memory_space<vmem>>, vector<16xf32>,
    %get3A_139 = arith.constant 240 : index
    %get3A_140 = tpu.vector_load %arg8[%get3A_139] {strides = array<i32>} : memref<256xf32, #tpu.memory_space<vmem>>, vector<16xf32>,
    %get3A_141 = vector.shape_cast %get3A_140 : vector<16xf32> to vector<16xf32>
    %sub3A_142 = arith.subf %get3A_141, %get3A_18 : vector<16xf32>
    %swap3A_143 = arith.constant 240 : index
    %swap3A_144 = tpu.vector_load %arg8[%swap3A_143] {strides = array<i32>} : memref<256xf32, #tpu.memory_space<vmem>>, vector<16xf32>,
    %swap3A_145 = vector.shape_cast %swap3A_144 : vector<16xf32> to vector<16xf32>
    %swap3A_146 = vector.shape_cast %sub3A_142 : vector<16xf32> to vector<16xf32>
    tpu.vector_store %arg8[%swap3A_143], %swap3A_146 {strides = array<i32>} : memref<256xf32, #tpu.memory_space<vmem>>, vector<16xf32>,
    %add3A_147 = arith.constant 0 : i32
    %add3A_148 = arith.addi %mul3A_2, %add3A_147 : i32
    %dma_start3A_149 = tpu.memref_slice %arg5[%add3A_148] : memref<16384xf32, #tpu.memory_space<hbm>> -> memref<256xf32, #tpu.memory_space<hbm>>
    %dma_start3A_150 = tpu.memref_slice %arg5[%add3A_148] : memref<16384xf32, #tpu.memory_space<hbm>> -> memref<256xf32, #tpu.memory_space<hbm>>
    tpu.enqueue_dma source(%arg8 : memref<256xf32, #tpu.memory_space<vmem>>) target(%dma_start3A_150 : memref<256xf32, #tpu.memory_space<hbm>>) target_semaphore(%arg14 : memref<!tpu.dma_semaphore, #tpu.memory_space<semaphore_mem>>)
    %dma_wait3A_151 = arith.constant 0 : i32
    %dma_wait3A_152 = tpu.memref_slice %arg4[%dma_wait3A_151] : memref<1000000xf32, #tpu.memory_space<hbm>> -> memref<1000000xf32, #tpu.memory_space<hbm>>
    tpu.wait_indirect_dma semaphore(%arg12 : memref<!tpu.dma_semaphore, #tpu.memory_space<semaphore_mem>>) src(%dma_wait3A_152 : memref<1000000xf32, #tpu.memory_space<hbm>>) dst(%arg9 : memref<256xf32, #tpu.memory_space<vmem>>)
    %get3A_153 = arith.constant 0 : index
    %get3A_154 = tpu.vector_load %arg9[%get3A_153] {strides = array<i32>} : memref<256xf32, #tpu.memory_space<vmem>>, vector<16xf32>,
    %get3A_155 = vector.shape_cast %get3A_154 : vector<16xf32> to vector<16xf32>
    %sub3A_156 = arith.subf %get3A_155, %get3A_18 : vector<16xf32>
    %swap3A_157 = arith.constant 0 : index
    %swap3A_158 = tpu.vector_load %arg9[%swap3A_157] {strides = array<i32>} : memref<256xf32, #tpu.memory_space<vmem>>, vector<16xf32>,
    %swap3A_159 = vector.shape_cast %swap3A_158 : vector<16xf32> to vector<16xf32>
    %swap3A_160 = vector.shape_cast %sub3A_156 : vector<16xf32> to vector<16xf32>
    tpu.vector_store %arg9[%swap3A_157], %swap3A_160 {strides = array<i32>} : memref<256xf32, #tpu.memory_space<vmem>>, vector<16xf32>,
    %get3A_161 = arith.constant 16 : index
    %get3A_162 = tpu.vector_load %arg9[%get3A_161] {strides = array<i32>} : memref<256xf32, #tpu.memory_space<vmem>>, vector<16xf32>,
    %get3A_163 = vector.shape_cast %get3A_162 : vector<16xf32> to vector<16xf32>
    %sub3A_164 = arith.subf %get3A_163, %get3A_18 : vector<16xf32>
    %swap3A_165 = arith.constant 16 : index
    %swap3A_166 = tpu.vector_load %arg9[%swap3A_165] {strides = array<i32>} : memref<256xf32, #tpu.memory_space<vmem>>, vector<16xf32>,
    %swap3A_167 = vector.shape_cast %swap3A_166 : vector<16xf32> to vector<16xf32>
    %swap3A_168 = vector.shape_cast %sub3A_164 : vector<16xf32> to vector<16xf32>
    tpu.vector_store %arg9[%swap3A_165], %swap3A_168 {strides = array<i32>} : memref<256xf32, #tpu.memory_space<vmem>>, vector<16xf32>,
    %get3A_169 = arith.constant 32 : index
    %get3A_170 = tpu.vector_load %arg9[%get3A_169] {strides = array<i32>} : memref<256xf32, #tpu.memory_space<vmem>>, vector<16xf32>,
    %get3A_171 = vector.shape_cast %get3A_170 : vector<16xf32> to vector<16xf32>
    %sub3A_172 = arith.subf %get3A_171, %get3A_18 : vector<16xf32>
    %swap3A_173 = arith.constant 32 : index
    %swap3A_174 = tpu.vector_load %arg9[%swap3A_173] {strides = array<i32>} : memref<256xf32, #tpu.memory_space<vmem>>, vector<16xf32>,
    %swap3A_175 = vector.shape_cast %swap3A_174 : vector<16xf32> to vector<16xf32>
    %swap3A_176 = vector.shape_cast %sub3A_172 : vector<16xf32> to vector<16xf32>
    tpu.vector_store %arg9[%swap3A_173], %swap3A_176 {strides = array<i32>} : memref<256xf32, #tpu.memory_space<vmem>>, vector<16xf32>,
    %get3A_177 = arith.constant 48 : index
    %get3A_178 = tpu.vector_load %arg9[%get3A_177] {strides = array<i32>} : memref<256xf32, #tpu.memory_space<vmem>>, vector<16xf32>,
    %get3A_179 = vector.shape_cast %get3A_178 : vector<16xf32> to vector<16xf32>
    %sub3A_180 = arith.subf %get3A_179, %get3A_18 : vector<16xf32>
    %swap3A_181 = arith.constant 48 : index
    %swap3A_182 = tpu.vector_load %arg9[%swap3A_181] {strides = array<i32>} : memref<256xf32, #tpu.memory_space<vmem>>, vector<16xf32>,
    %swap3A_183 = vector.shape_cast %swap3A_182 : vector<16xf32> to vector<16xf32>
    %swap3A_184 = vector.shape_cast %sub3A_180 : vector<16xf32> to vector<16xf32>
    tpu.vector_store %arg9[%swap3A_181], %swap3A_184 {strides = array<i32>} : memref<256xf32, #tpu.memory_space<vmem>>, vector<16xf32>,
    %get3A_185 = arith.constant 64 : index
    %get3A_186 = tpu.vector_load %arg9[%get3A_185] {strides = array<i32>} : memref<256xf32, #tpu.memory_space<vmem>>, vector<16xf32>,
    %get3A_187 = vector.shape_cast %get3A_186 : vector<16xf32> to vector<16xf32>
    %sub3A_188 = arith.subf %get3A_187, %get3A_18 : vector<16xf32>
    %swap3A_189 = arith.constant 64 : index
    %swap3A_190 = tpu.vector_load %arg9[%swap3A_189] {strides = array<i32>} : memref<256xf32, #tpu.memory_space<vmem>>, vector<16xf32>,
    %swap3A_191 = vector.shape_cast %swap3A_190 : vector<16xf32> to vector<16xf32>
    %swap3A_192 = vector.shape_cast %sub3A_188 : vector<16xf32> to vector<16xf32>
    tpu.vector_store %arg9[%swap3A_189], %swap3A_192 {strides = array<i32>} : memref<256xf32, #tpu.memory_space<vmem>>, vector<16xf32>,
    %get3A_193 = arith.constant 80 : index
    %get3A_194 = tpu.vector_load %arg9[%get3A_193] {strides = array<i32>} : memref<256xf32, #tpu.memory_space<vmem>>, vector<16xf32>,
    %get3A_195 = vector.shape_cast %get3A_194 : vector<16xf32> to vector<16xf32>
    %sub3A_196 = arith.subf %get3A_195, %get3A_18 : vector<16xf32>
    %swap3A_197 = arith.constant 80 : index
    %swap3A_198 = tpu.vector_load %arg9[%swap3A_197] {strides = array<i32>} : memref<256xf32, #tpu.memory_space<vmem>>, vector<16xf32>,
    %swap3A_199 = vector.shape_cast %swap3A_198 : vector<16xf32> to vector<16xf32>
    %swap3A_200 = vector.shape_cast %sub3A_196 : vector<16xf32> to vector<16xf32>
    tpu.vector_store %arg9[%swap3A_197], %swap3A_200 {strides = array<i32>} : memref<256xf32, #tpu.memory_space<vmem>>, vector<16xf32>,
    %get3A_201 = arith.constant 96 : index
    %get3A_202 = tpu.vector_load %arg9[%get3A_201] {strides = array<i32>} : memref<256xf32, #tpu.memory_space<vmem>>, vector<16xf32>,
    %get3A_203 = vector.shape_cast %get3A_202 : vector<16xf32> to vector<16xf32>
    %sub3A_204 = arith.subf %get3A_203, %get3A_18 : vector<16xf32>
    %swap3A_205 = arith.constant 96 : index
    %swap3A_206 = tpu.vector_load %arg9[%swap3A_205] {strides = array<i32>} : memref<256xf32, #tpu.memory_space<vmem>>, vector<16xf32>,
    %swap3A_207 = vector.shape_cast %swap3A_206 : vector<16xf32> to vector<16xf32>
    %swap3A_208 = vector.shape_cast %sub3A_204 : vector<16xf32> to vector<16xf32>
    tpu.vector_store %arg9[%swap3A_205], %swap3A_208 {strides = array<i32>} : memref<256xf32, #tpu.memory_space<vmem>>, vector<16xf32>,
    %get3A_209 = arith.constant 112 : index
    %get3A_210 = tpu.vector_load %arg9[%get3A_209] {strides = array<i32>} : memref<256xf32, #tpu.memory_space<vmem>>, vector<16xf32>,
    %get3A_211 = vector.shape_cast %get3A_210 : vector<16xf32> to vector<16xf32>
    %sub3A_212 = arith.subf %get3A_211, %get3A_18 : vector<16xf32>
    %swap3A_213 = arith.constant 112 : index
    %swap3A_214 = tpu.vector_load %arg9[%swap3A_213] {strides = array<i32>} : memref<256xf32, #tpu.memory_space<vmem>>, vector<16xf32>,
    %swap3A_215 = vector.shape_cast %swap3A_214 : vector<16xf32> to vector<16xf32>
    %swap3A_216 = vector.shape_cast %sub3A_212 : vector<16xf32> to vector<16xf32>
    tpu.vector_store %arg9[%swap3A_213], %swap3A_216 {strides = array<i32>} : memref<256xf32, #tpu.memory_space<vmem>>, vector<16xf32>,
    %get3A_217 = arith.constant 128 : index
    %get3A_218 = tpu.vector_load %arg9[%get3A_217] {strides = array<i32>} : memref<256xf32, #tpu.memory_space<vmem>>, vector<16xf32>,
    %get3A_219 = vector.shape_cast %get3A_218 : vector<16xf32> to vector<16xf32>
    %sub3A_220 = arith.subf %get3A_219, %get3A_18 : vector<16xf32>
    %swap3A_221 = arith.constant 128 : index
    %swap3A_222 = tpu.vector_load %arg9[%swap3A_221] {strides = array<i32>} : memref<256xf32, #tpu.memory_space<vmem>>, vector<16xf32>,
    %swap3A_223 = vector.shape_cast %swap3A_222 : vector<16xf32> to vector<16xf32>
    %swap3A_224 = vector.shape_cast %sub3A_220 : vector<16xf32> to vector<16xf32>
    tpu.vector_store %arg9[%swap3A_221], %swap3A_224 {strides = array<i32>} : memref<256xf32, #tpu.memory_space<vmem>>, vector<16xf32>,
    %get3A_225 = arith.constant 144 : index
    %get3A_226 = tpu.vector_load %arg9[%get3A_225] {strides = array<i32>} : memref<256xf32, #tpu.memory_space<vmem>>, vector<16xf32>,
    %get3A_227 = vector.shape_cast %get3A_226 : vector<16xf32> to vector<16xf32>
    %sub3A_228 = arith.subf %get3A_227, %get3A_18 : vector<16xf32>
    %swap3A_229 = arith.constant 144 : index
    %swap3A_230 = tpu.vector_load %arg9[%swap3A_229] {strides = array<i32>} : memref<256xf32, #tpu.memory_space<vmem>>, vector<16xf32>,
    %swap3A_231 = vector.shape_cast %swap3A_230 : vector<16xf32> to vector<16xf32>
    %swap3A_232 = vector.shape_cast %sub3A_228 : vector<16xf32> to vector<16xf32>
    tpu.vector_store %arg9[%swap3A_229], %swap3A_232 {strides = array<i32>} : memref<256xf32, #tpu.memory_space<vmem>>, vector<16xf32>,
    %get3A_233 = arith.constant 160 : index
    %get3A_234 = tpu.vector_load %arg9[%get3A_233] {strides = array<i32>} : memref<256xf32, #tpu.memory_space<vmem>>, vector<16xf32>,
    %get3A_235 = vector.shape_cast %get3A_234 : vector<16xf32> to vector<16xf32>
    %sub3A_236 = arith.subf %get3A_235, %get3A_18 : vector<16xf32>
    %swap3A_237 = arith.constant 160 : index
    %swap3A_238 = tpu.vector_load %arg9[%swap3A_237] {strides = array<i32>} : memref<256xf32, #tpu.memory_space<vmem>>, vector<16xf32>,
    %swap3A_239 = vector.shape_cast %swap3A_238 : vector<16xf32> to vector<16xf32>
    %swap3A_240 = vector.shape_cast %sub3A_236 : vector<16xf32> to vector<16xf32>
    tpu.vector_store %arg9[%swap3A_237], %swap3A_240 {strides = array<i32>} : memref<256xf32, #tpu.memory_space<vmem>>, vector<16xf32>,
    %get3A_241 = arith.constant 176 : index
    %get3A_242 = tpu.vector_load %arg9[%get3A_241] {strides = array<i32>} : memref<256xf32, #tpu.memory_space<vmem>>, vector<16xf32>,
    %get3A_243 = vector.shape_cast %get3A_242 : vector<16xf32> to vector<16xf32>
    %sub3A_244 = arith.subf %get3A_243, %get3A_18 : vector<16xf32>
    %swap3A_245 = arith.constant 176 : index
    %swap3A_246 = tpu.vector_load %arg9[%swap3A_245] {strides = array<i32>} : memref<256xf32, #tpu.memory_space<vmem>>, vector<16xf32>,
    %swap3A_247 = vector.shape_cast %swap3A_246 : vector<16xf32> to vector<16xf32>
    %swap3A_248 = vector.shape_cast %sub3A_244 : vector<16xf32> to vector<16xf32>
    tpu.vector_store %arg9[%swap3A_245], %swap3A_248 {strides = array<i32>} : memref<256xf32, #tpu.memory_space<vmem>>, vector<16xf32>,
    %get3A_249 = arith.constant 192 : index
    %get3A_250 = tpu.vector_load %arg9[%get3A_249] {strides = array<i32>} : memref<256xf32, #tpu.memory_space<vmem>>, vector<16xf32>,
    %get3A_251 = vector.shape_cast %get3A_250 : vector<16xf32> to vector<16xf32>
    %sub3A_252 = arith.subf %get3A_251, %get3A_18 : vector<16xf32>
    %swap3A_253 = arith.constant 192 : index
    %swap3A_254 = tpu.vector_load %arg9[%swap3A_253] {strides = array<i32>} : memref<256xf32, #tpu.memory_space<vmem>>, vector<16xf32>,
    %swap3A_255 = vector.shape_cast %swap3A_254 : vector<16xf32> to vector<16xf32>
    %swap3A_256 = vector.shape_cast %sub3A_252 : vector<16xf32> to vector<16xf32>
    tpu.vector_store %arg9[%swap3A_253], %swap3A_256 {strides = array<i32>} : memref<256xf32, #tpu.memory_space<vmem>>, vector<16xf32>,
    %get3A_257 = arith.constant 208 : index
    %get3A_258 = tpu.vector_load %arg9[%get3A_257] {strides = array<i32>} : memref<256xf32, #tpu.memory_space<vmem>>, vector<16xf32>,
    %get3A_259 = vector.shape_cast %get3A_258 : vector<16xf32> to vector<16xf32>
    %sub3A_260 = arith.subf %get3A_259, %get3A_18 : vector<16xf32>
    %swap3A_261 = arith.constant 208 : index
    %swap3A_262 = tpu.vector_load %arg9[%swap3A_261] {strides = array<i32>} : memref<256xf32, #tpu.memory_space<vmem>>, vector<16xf32>,
    %swap3A_263 = vector.shape_cast %swap3A_262 : vector<16xf32> to vector<16xf32>
    %swap3A_264 = vector.shape_cast %sub3A_260 : vector<16xf32> to vector<16xf32>
    tpu.vector_store %arg9[%swap3A_261], %swap3A_264 {strides = array<i32>} : memref<256xf32, #tpu.memory_space<vmem>>, vector<16xf32>,
    %get3A_265 = arith.constant 224 : index
    %get3A_266 = tpu.vector_load %arg9[%get3A_265] {strides = array<i32>} : memref<256xf32, #tpu.memory_space<vmem>>, vector<16xf32>,
    %get3A_267 = vector.shape_cast %get3A_266 : vector<16xf32> to vector<16xf32>
    %sub3A_268 = arith.subf %get3A_267, %get3A_18 : vector<16xf32>
    %swap3A_269 = arith.constant 224 : index
    %swap3A_270 = tpu.vector_load %arg9[%swap3A_269] {strides = array<i32>} : memref<256xf32, #tpu.memory_space<vmem>>, vector<16xf32>,
    %swap3A_271 = vector.shape_cast %swap3A_270 : vector<16xf32> to vector<16xf32>
    %swap3A_272 = vector.shape_cast %sub3A_268 : vector<16xf32> to vector<16xf32>
    tpu.vector_store %arg9[%swap3A_269], %swap3A_272 {strides = array<i32>} : memref<256xf32, #tpu.memory_space<vmem>>, vector<16xf32>,
    %get3A_273 = arith.constant 240 : index
    %get3A_274 = tpu.vector_load %arg9[%get3A_273] {strides = array<i32>} : memref<256xf32, #tpu.memory_space<vmem>>, vector<16xf32>,
    %get3A_275 = vector.shape_cast %get3A_274 : vector<16xf32> to vector<16xf32>
    %sub3A_276 = arith.subf %get3A_275, %get3A_18 : vector<16xf32>
    %swap3A_277 = arith.constant 240 : index
    %swap3A_278 = tpu.vector_load %arg9[%swap3A_277] {strides = array<i32>} : memref<256xf32, #tpu.memory_space<vmem>>, vector<16xf32>,
    %swap3A_279 = vector.shape_cast %swap3A_278 : vector<16xf32> to vector<16xf32>
    %swap3A_280 = vector.shape_cast %sub3A_276 : vector<16xf32> to vector<16xf32>
    tpu.vector_store %arg9[%swap3A_277], %swap3A_280 {strides = array<i32>} : memref<256xf32, #tpu.memory_space<vmem>>, vector<16xf32>,
    %add3A_281 = arith.constant 256 : i32
    %add3A_282 = arith.addi %mul3A_2, %add3A_281 : i32
    %dma_start3A_283 = tpu.memref_slice %arg5[%add3A_282] : memref<16384xf32, #tpu.memory_space<hbm>> -> memref<256xf32, #tpu.memory_space<hbm>>
    %dma_start3A_284 = tpu.memref_slice %arg5[%add3A_282] : memref<16384xf32, #tpu.memory_space<hbm>> -> memref<256xf32, #tpu.memory_space<hbm>>
    tpu.enqueue_dma source(%arg9 : memref<256xf32, #tpu.memory_space<vmem>>) target(%dma_start3A_284 : memref<256xf32, #tpu.memory_space<hbm>>) target_semaphore(%arg14 : memref<!tpu.dma_semaphore, #tpu.memory_space<semaphore_mem>>)
    %dma_wait3A_285 = tpu.memref_slice %arg5[%add3A_148] : memref<16384xf32, #tpu.memory_space<hbm>> -> memref<256xf32, #tpu.memory_space<hbm>>
    %dma_wait3A_286 = tpu.memref_slice %arg5[%add3A_148] : memref<16384xf32, #tpu.memory_space<hbm>> -> memref<256xf32, #tpu.memory_space<hbm>>
    tpu.wait_dma2 semaphore(%arg14 : memref<!tpu.dma_semaphore, #tpu.memory_space<semaphore_mem>>) src(%arg8 : memref<256xf32, #tpu.memory_space<vmem>>) dst(%dma_wait3A_286 : memref<256xf32, #tpu.memory_space<hbm>>)
    %dma_wait3A_287 = tpu.memref_slice %arg5[%add3A_282] : memref<16384xf32, #tpu.memory_space<hbm>> -> memref<256xf32, #tpu.memory_space<hbm>>
    %dma_wait3A_288 = tpu.memref_slice %arg5[%add3A_282] : memref<16384xf32, #tpu.memory_space<hbm>> -> memref<256xf32, #tpu.memory_space<hbm>>
    tpu.wait_dma2 semaphore(%arg14 : memref<!tpu.dma_semaphore, #tpu.memory_space<semaphore_mem>>) src(%arg9 : memref<256xf32, #tpu.memory_space<vmem>>) dst(%dma_wait3A_288 : memref<256xf32, #tpu.memory_space<hbm>>)
    return
  }
}

module attributes {stable_mosaic.version = 14 : i64} {
  func.func @_lse_body(%arg0: memref<1000000xf32, #tpu.memory_space<any>>, %arg1: memref<16xf32, #tpu.memory_space<vmem>>, %arg2: memref<131072xf32, #tpu.memory_space<vmem>>, %arg3: memref<131072xf32, #tpu.memory_space<vmem>>, %arg4: memref<131072xf32, #tpu.memory_space<vmem>>, %arg5: memref<131072xf32, #tpu.memory_space<vmem>>, %arg6: memref<131072xf32, #tpu.memory_space<vmem>>, %arg7: memref<131072xf32, #tpu.memory_space<vmem>>, %arg8: memref<131072xf32, #tpu.memory_space<vmem>>, %arg9: memref<82496xf32, #tpu.memory_space<vmem>>, %arg10: memref<!tpu.dma_semaphore, #tpu.memory_space<semaphore_mem>>, %arg11: memref<!tpu.dma_semaphore, #tpu.memory_space<semaphore_mem>>, %arg12: memref<!tpu.dma_semaphore, #tpu.memory_space<semaphore_mem>>, %arg13: memref<!tpu.dma_semaphore, #tpu.memory_space<semaphore_mem>>, %arg14: memref<!tpu.dma_semaphore, #tpu.memory_space<semaphore_mem>>, %arg15: memref<!tpu.dma_semaphore, #tpu.memory_space<semaphore_mem>>, %arg16: memref<!tpu.dma_semaphore, #tpu.memory_space<semaphore_mem>>, %arg17: memref<!tpu.dma_semaphore, #tpu.memory_space<semaphore_mem>>) attributes {dimension_semantics = [], scalar_prefetch = 0 : i64, scratch_operands = 16 : i64, tpu.core_type = #tpu.core_type<tc>} {
    %dma_start3A = arith.constant 0 : i32
    %dma_start3A_0 = tpu.memref_slice %arg0[%dma_start3A] : memref<1000000xf32, #tpu.memory_space<any>> -> memref<131072xf32, #tpu.memory_space<any>>
    tpu.enqueue_dma source(%dma_start3A_0 : memref<131072xf32, #tpu.memory_space<any>>) target(%arg2 : memref<131072xf32, #tpu.memory_space<vmem>>) target_semaphore(%arg10 : memref<!tpu.dma_semaphore, #tpu.memory_space<semaphore_mem>>)
    %dma_start3A_1 = arith.constant 131072 : i32
    %dma_start3A_2 = tpu.memref_slice %arg0[%dma_start3A_1] : memref<1000000xf32, #tpu.memory_space<any>> -> memref<131072xf32, #tpu.memory_space<any>>
    tpu.enqueue_dma source(%dma_start3A_2 : memref<131072xf32, #tpu.memory_space<any>>) target(%arg3 : memref<131072xf32, #tpu.memory_space<vmem>>) target_semaphore(%arg11 : memref<!tpu.dma_semaphore, #tpu.memory_space<semaphore_mem>>)
    %dma_start3A_3 = arith.constant 262144 : i32
    %dma_start3A_4 = tpu.memref_slice %arg0[%dma_start3A_3] : memref<1000000xf32, #tpu.memory_space<any>> -> memref<131072xf32, #tpu.memory_space<any>>
    tpu.enqueue_dma source(%dma_start3A_4 : memref<131072xf32, #tpu.memory_space<any>>) target(%arg4 : memref<131072xf32, #tpu.memory_space<vmem>>) target_semaphore(%arg12 : memref<!tpu.dma_semaphore, #tpu.memory_space<semaphore_mem>>)
    %dma_start3A_5 = arith.constant 393216 : i32
    %dma_start3A_6 = tpu.memref_slice %arg0[%dma_start3A_5] : memref<1000000xf32, #tpu.memory_space<any>> -> memref<131072xf32, #tpu.memory_space<any>>
    tpu.enqueue_dma source(%dma_start3A_6 : memref<131072xf32, #tpu.memory_space<any>>) target(%arg5 : memref<131072xf32, #tpu.memory_space<vmem>>) target_semaphore(%arg13 : memref<!tpu.dma_semaphore, #tpu.memory_space<semaphore_mem>>)
    %dma_start3A_7 = arith.constant 524288 : i32
    %dma_start3A_8 = tpu.memref_slice %arg0[%dma_start3A_7] : memref<1000000xf32, #tpu.memory_space<any>> -> memref<131072xf32, #tpu.memory_space<any>>
    tpu.enqueue_dma source(%dma_start3A_8 : memref<131072xf32, #tpu.memory_space<any>>) target(%arg6 : memref<131072xf32, #tpu.memory_space<vmem>>) target_semaphore(%arg14 : memref<!tpu.dma_semaphore, #tpu.memory_space<semaphore_mem>>)
    %dma_start3A_9 = arith.constant 655360 : i32
    %dma_start3A_10 = tpu.memref_slice %arg0[%dma_start3A_9] : memref<1000000xf32, #tpu.memory_space<any>> -> memref<131072xf32, #tpu.memory_space<any>>
    tpu.enqueue_dma source(%dma_start3A_10 : memref<131072xf32, #tpu.memory_space<any>>) target(%arg7 : memref<131072xf32, #tpu.memory_space<vmem>>) target_semaphore(%arg15 : memref<!tpu.dma_semaphore, #tpu.memory_space<semaphore_mem>>)
    %dma_start3A_11 = arith.constant 786432 : i32
    %dma_start3A_12 = tpu.memref_slice %arg0[%dma_start3A_11] : memref<1000000xf32, #tpu.memory_space<any>> -> memref<131072xf32, #tpu.memory_space<any>>
    tpu.enqueue_dma source(%dma_start3A_12 : memref<131072xf32, #tpu.memory_space<any>>) target(%arg8 : memref<131072xf32, #tpu.memory_space<vmem>>) target_semaphore(%arg16 : memref<!tpu.dma_semaphore, #tpu.memory_space<semaphore_mem>>)
    %dma_start3A_13 = arith.constant 917504 : i32
    %dma_start3A_14 = tpu.memref_slice %arg0[%dma_start3A_13] : memref<1000000xf32, #tpu.memory_space<any>> -> memref<82496xf32, #tpu.memory_space<any>>
    tpu.enqueue_dma source(%dma_start3A_14 : memref<82496xf32, #tpu.memory_space<any>>) target(%arg9 : memref<82496xf32, #tpu.memory_space<vmem>>) target_semaphore(%arg17 : memref<!tpu.dma_semaphore, #tpu.memory_space<semaphore_mem>>)
    %dma_wait3A = arith.constant 0 : i32
    %dma_wait3A_15 = tpu.memref_slice %arg0[%dma_wait3A] : memref<1000000xf32, #tpu.memory_space<any>> -> memref<131072xf32, #tpu.memory_space<any>>
    tpu.wait_dma2 semaphore(%arg10 : memref<!tpu.dma_semaphore, #tpu.memory_space<semaphore_mem>>) src(%dma_wait3A_15 : memref<131072xf32, #tpu.memory_space<any>>) dst(%arg2 : memref<131072xf32, #tpu.memory_space<vmem>>)
    %get3A = arith.constant 0 : index
    %get3A_16 = vector.load %arg2[%get3A] : memref<131072xf32, #tpu.memory_space<vmem>>, vector<131072xf32>
    %exp3A = math.exp %get3A_16 : vector<131072xf32>
    %dma_wait3A_17 = arith.constant 131072 : i32
    %dma_wait3A_18 = tpu.memref_slice %arg0[%dma_wait3A_17] : memref<1000000xf32, #tpu.memory_space<any>> -> memref<131072xf32, #tpu.memory_space<any>>
    tpu.wait_dma2 semaphore(%arg11 : memref<!tpu.dma_semaphore, #tpu.memory_space<semaphore_mem>>) src(%dma_wait3A_18 : memref<131072xf32, #tpu.memory_space<any>>) dst(%arg3 : memref<131072xf32, #tpu.memory_space<vmem>>)
    %get3A_19 = arith.constant 0 : index
    %get3A_20 = vector.load %arg3[%get3A_19] : memref<131072xf32, #tpu.memory_space<vmem>>, vector<131072xf32>
    %exp3A_21 = math.exp %get3A_20 : vector<131072xf32>
    %add3A = arith.addf %exp3A, %exp3A_21 : vector<131072xf32>
    %dma_wait3A_22 = arith.constant 262144 : i32
    %dma_wait3A_23 = tpu.memref_slice %arg0[%dma_wait3A_22] : memref<1000000xf32, #tpu.memory_space<any>> -> memref<131072xf32, #tpu.memory_space<any>>
    tpu.wait_dma2 semaphore(%arg12 : memref<!tpu.dma_semaphore, #tpu.memory_space<semaphore_mem>>) src(%dma_wait3A_23 : memref<131072xf32, #tpu.memory_space<any>>) dst(%arg4 : memref<131072xf32, #tpu.memory_space<vmem>>)
    %get3A_24 = arith.constant 0 : index
    %get3A_25 = vector.load %arg4[%get3A_24] : memref<131072xf32, #tpu.memory_space<vmem>>, vector<131072xf32>
    %exp3A_26 = math.exp %get3A_25 : vector<131072xf32>
    %add3A_27 = arith.addf %add3A, %exp3A_26 : vector<131072xf32>
    %dma_wait3A_28 = arith.constant 393216 : i32
    %dma_wait3A_29 = tpu.memref_slice %arg0[%dma_wait3A_28] : memref<1000000xf32, #tpu.memory_space<any>> -> memref<131072xf32, #tpu.memory_space<any>>
    tpu.wait_dma2 semaphore(%arg13 : memref<!tpu.dma_semaphore, #tpu.memory_space<semaphore_mem>>) src(%dma_wait3A_29 : memref<131072xf32, #tpu.memory_space<any>>) dst(%arg5 : memref<131072xf32, #tpu.memory_space<vmem>>)
    %get3A_30 = arith.constant 0 : index
    %get3A_31 = vector.load %arg5[%get3A_30] : memref<131072xf32, #tpu.memory_space<vmem>>, vector<131072xf32>
    %exp3A_32 = math.exp %get3A_31 : vector<131072xf32>
    %add3A_33 = arith.addf %add3A_27, %exp3A_32 : vector<131072xf32>
    %dma_wait3A_34 = arith.constant 524288 : i32
    %dma_wait3A_35 = tpu.memref_slice %arg0[%dma_wait3A_34] : memref<1000000xf32, #tpu.memory_space<any>> -> memref<131072xf32, #tpu.memory_space<any>>
    tpu.wait_dma2 semaphore(%arg14 : memref<!tpu.dma_semaphore, #tpu.memory_space<semaphore_mem>>) src(%dma_wait3A_35 : memref<131072xf32, #tpu.memory_space<any>>) dst(%arg6 : memref<131072xf32, #tpu.memory_space<vmem>>)
    %get3A_36 = arith.constant 0 : index
    %get3A_37 = vector.load %arg6[%get3A_36] : memref<131072xf32, #tpu.memory_space<vmem>>, vector<131072xf32>
    %exp3A_38 = math.exp %get3A_37 : vector<131072xf32>
    %add3A_39 = arith.addf %add3A_33, %exp3A_38 : vector<131072xf32>
    %dma_wait3A_40 = arith.constant 655360 : i32
    %dma_wait3A_41 = tpu.memref_slice %arg0[%dma_wait3A_40] : memref<1000000xf32, #tpu.memory_space<any>> -> memref<131072xf32, #tpu.memory_space<any>>
    tpu.wait_dma2 semaphore(%arg15 : memref<!tpu.dma_semaphore, #tpu.memory_space<semaphore_mem>>) src(%dma_wait3A_41 : memref<131072xf32, #tpu.memory_space<any>>) dst(%arg7 : memref<131072xf32, #tpu.memory_space<vmem>>)
    %get3A_42 = arith.constant 0 : index
    %get3A_43 = vector.load %arg7[%get3A_42] : memref<131072xf32, #tpu.memory_space<vmem>>, vector<131072xf32>
    %exp3A_44 = math.exp %get3A_43 : vector<131072xf32>
    %add3A_45 = arith.addf %add3A_39, %exp3A_44 : vector<131072xf32>
    %dma_wait3A_46 = arith.constant 786432 : i32
    %dma_wait3A_47 = tpu.memref_slice %arg0[%dma_wait3A_46] : memref<1000000xf32, #tpu.memory_space<any>> -> memref<131072xf32, #tpu.memory_space<any>>
    tpu.wait_dma2 semaphore(%arg16 : memref<!tpu.dma_semaphore, #tpu.memory_space<semaphore_mem>>) src(%dma_wait3A_47 : memref<131072xf32, #tpu.memory_space<any>>) dst(%arg8 : memref<131072xf32, #tpu.memory_space<vmem>>)
    %get3A_48 = arith.constant 0 : index
    %get3A_49 = vector.load %arg8[%get3A_48] : memref<131072xf32, #tpu.memory_space<vmem>>, vector<131072xf32>
    %exp3A_50 = math.exp %get3A_49 : vector<131072xf32>
    %add3A_51 = arith.addf %add3A_45, %exp3A_50 : vector<131072xf32>
    %dma_wait3A_52 = arith.constant 917504 : i32
    %dma_wait3A_53 = tpu.memref_slice %arg0[%dma_wait3A_52] : memref<1000000xf32, #tpu.memory_space<any>> -> memref<82496xf32, #tpu.memory_space<any>>
    tpu.wait_dma2 semaphore(%arg17 : memref<!tpu.dma_semaphore, #tpu.memory_space<semaphore_mem>>) src(%dma_wait3A_53 : memref<82496xf32, #tpu.memory_space<any>>) dst(%arg9 : memref<82496xf32, #tpu.memory_space<vmem>>)
    %get3A_54 = arith.constant 0 : index
    %get3A_55 = vector.load %arg9[%get3A_54] : memref<82496xf32, #tpu.memory_space<vmem>>, vector<82496xf32>
    %exp3A_56 = math.exp %get3A_55 : vector<82496xf32>
    %broadcast_in_dim3A = arith.constant 0.000000e+00 : f32
    %broadcast_in_dim3A_57 = vector.broadcast %broadcast_in_dim3A : f32 to vector<48576xf32>
    %concatenate3A = tpu.concatenate %exp3A_56, %broadcast_in_dim3A_57 in 0 : vector<82496xf32>, vector<48576xf32> -> vector<131072xf32>
    %add3A_58 = arith.addf %add3A_51, %concatenate3A : vector<131072xf32>
    %slice3A = vector.extract_strided_slice %add3A_58 {offsets = [0], sizes = [65536], strides = [1]} : vector<131072xf32> to vector<65536xf32>
    %slice3A_59 = vector.extract_strided_slice %add3A_58 {offsets = [65536], sizes = [65536], strides = [1]} : vector<131072xf32> to vector<65536xf32>
    %add3A_60 = arith.addf %slice3A, %slice3A_59 : vector<65536xf32>
    %slice3A_61 = vector.extract_strided_slice %add3A_60 {offsets = [0], sizes = [32768], strides = [1]} : vector<65536xf32> to vector<32768xf32>
    %slice3A_62 = vector.extract_strided_slice %add3A_60 {offsets = [32768], sizes = [32768], strides = [1]} : vector<65536xf32> to vector<32768xf32>
    %add3A_63 = arith.addf %slice3A_61, %slice3A_62 : vector<32768xf32>
    %slice3A_64 = vector.extract_strided_slice %add3A_63 {offsets = [0], sizes = [16384], strides = [1]} : vector<32768xf32> to vector<16384xf32>
    %slice3A_65 = vector.extract_strided_slice %add3A_63 {offsets = [16384], sizes = [16384], strides = [1]} : vector<32768xf32> to vector<16384xf32>
    %add3A_66 = arith.addf %slice3A_64, %slice3A_65 : vector<16384xf32>
    %slice3A_67 = vector.extract_strided_slice %add3A_66 {offsets = [0], sizes = [8192], strides = [1]} : vector<16384xf32> to vector<8192xf32>
    %slice3A_68 = vector.extract_strided_slice %add3A_66 {offsets = [8192], sizes = [8192], strides = [1]} : vector<16384xf32> to vector<8192xf32>
    %add3A_69 = arith.addf %slice3A_67, %slice3A_68 : vector<8192xf32>
    %slice3A_70 = vector.extract_strided_slice %add3A_69 {offsets = [0], sizes = [4096], strides = [1]} : vector<8192xf32> to vector<4096xf32>
    %slice3A_71 = vector.extract_strided_slice %add3A_69 {offsets = [4096], sizes = [4096], strides = [1]} : vector<8192xf32> to vector<4096xf32>
    %add3A_72 = arith.addf %slice3A_70, %slice3A_71 : vector<4096xf32>
    %slice3A_73 = vector.extract_strided_slice %add3A_72 {offsets = [0], sizes = [2048], strides = [1]} : vector<4096xf32> to vector<2048xf32>
    %slice3A_74 = vector.extract_strided_slice %add3A_72 {offsets = [2048], sizes = [2048], strides = [1]} : vector<4096xf32> to vector<2048xf32>
    %add3A_75 = arith.addf %slice3A_73, %slice3A_74 : vector<2048xf32>
    %reduce_sum3A = vector.shape_cast %add3A_75 : vector<2048xf32> to vector<1x2048xf32>
    %reduce_sum3A_76 = arith.constant dense<0.000000e+00> : vector<1xf32>
    %reduce_sum3A_77 = vector.multi_reduction <add>, %reduce_sum3A, %reduce_sum3A_76 [1] : vector<1x2048xf32> to vector<1xf32>
    %reduce_sum3A_78 = vector.shape_cast %reduce_sum3A_77 : vector<1xf32> to vector<1x1xf32>
    %reduce_sum3A_79 = vector.extract %reduce_sum3A_78[0, 0] : f32 from vector<1x1xf32>
    %log3A = math.log %reduce_sum3A_79 : f32
    %broadcast_in_dim3A_80 = vector.broadcast %log3A : f32 to vector<16xf32>
    %swap3A = arith.constant 0 : index
    %swap3A_81 = vector.load %arg1[%swap3A] : memref<16xf32, #tpu.memory_space<vmem>>, vector<16xf32>
    tpu.vector_store %arg1[%swap3A], %broadcast_in_dim3A_80 {strides = array<i32>} : memref<16xf32, #tpu.memory_space<vmem>>, vector<16xf32>,
    return
  }
}

</mosaic_0001>

<sc_bundles>
// kernel: kernel.4.cloned.1.call-start
scs
__scs_entry_jumppad:
0x0: {  	(pc) =	sbr.rel $0x88, $3  }
0x1: {  	(tag) =	ssettag $0x0;
	lr =	simm.s32 $0x1  }
0x2: {  	[smem:$0x3F9F] =	sst lr;
	_ =	strace $0xD0000000  }
0x3: {  	_ = 	snop  }
0x4: {  	_ = 	snop  }
0x5: {  	_ = 	snop  }
0x6: {  	_ = 	snop  }
0x7: {  	_ = 	snop  }
__scs_overlays_trampoline_lowered:
0x8: {  	[smem:$0x3FAE] =	sst s0  }
0x9: {  	[smem:$0x3FAF] =	sst s1  }
0xa: {  	[smem:$0x3FB0] =	sst s2  }
0xb: {  	[smem:$0x3FB1] =	sst s3  }
0xc: {  	[smem:$0x3FB2] =	sst s4  }
0xd: {  	[smem:$0x3FB3] =	sst s5  }
0xe: {  	[smem:$0x3FB4] =	sst s6  }
0xf: {  	[smem:$0x3FB5] =	sst s7  }
0x10: {  	[smem:$0x3FB6] =	sst s8  }
0x11: {  	[smem:$0x3FB7] =	sst s9;
	s0 =	simm.s32 @!p0 $0x0  }
0x12: {  	s1 =	sld [smem:$0x3F9D];
	s0 =	simm.s32 @p0 $0x1  }
0x13: {  	[smem:$0x3FB8] =	sst s0;
	s0 =	simm.s32 @!p1 $0x0  }
0x14: {  	s2 =	sld [smem:$0x3F9C];
	s0 =	simm.s32 @p1 $0x1  }
0x15: {  	[smem:$0x3FB9] =	sst s0;
	s0 =	simm.s32 @!p2 $0x0  }
0x16: {  	s3 =	sld [smem:$0x3FDB];
	s0 =	simm.s32 @p2 $0x1  }
0x17: {  	s4 =	simm.s32 $0x1BF5;
	[smem:$0x3FBB] =	sst s0  }
0x18: {  	s0 =	sld [smem:$0x3F9E];
	_ =	swait.ge [sflag:s4], $0x0  }
0x19: {  	s7 =	sld [smem:$0x3F9F]  }
0x1a: {  	s8 =	sadd.s32 $0xFFFFE003, lr  }
0x1b: {  	s9 =	sadd.s32 $0xFFFFFEF7, lr;
	s5 =	simm.s32 $0xFFFFFFFF;
	p2 =	slt.u32 s8, $0xFFFFF086  }
0x1c: {  	p1 =	slt.u32 s9, $0xF7A;
	s5 =	simm.s32 @!p2 $0x0  }
0x1d: {  	s5 =	simm.s32 @p1 $0x1;
	p0 =	seq.s32 s7, s2  }
0x1e: {  	s7 =	smul.u32 @!p0 $0xF7A, s2;
	p2 =	seq.s32 @!p0 s5, $0x0  }
0x1f: {  	s9 =	smul.u32 $0xF7A, s1;
	s8 =	simm.s32 @!p0 $0x1BF5;
	p2 =	por !p2, p0  }
0x20: {  	[sflag:s8] =	ssyncset.s32 @!p0 $0xFFFFF086;
	s6 =	sadd.s32 @!p0 s3, s7;
	s7 =	simm.s32 @!p0 $0x108  }
0x21: {  	s3 =	sadd.s32 s3, s9;
	s6 =	sadd.s32 @!p0 $0x88, s6;
	s7 =	simm.s32 @p2 $0x1082  }
0x22: {  	[simem:s7], [sflag:s8] =	dma.local @!p0 [hbm:s6], $0xF7A  }
0x23: {  	s9 =	sor.u32 $0xD0000000, s2;
	s6 =	simm.s32 $0x108;
	_ =	swait.ge @!p0 [sflag:s8], $0x0  }
0x24: {  	s3 =	sadd.s32 $0x88, s3;
	s6 =	simm.s32 @!p1 $0x1082;
	[sflag:s4] =	ssyncset.s32 $0xFFFFF086  }
0x25: {  	[simem:s6], [sflag:s4] =	dma.local [hbm:s3], $0xF7A  }
0x26: {  	[smem:$0x3F9F] =	sst s1;
	(tag) =	ssettag s2;
	_ =	strace s9  }
0x27: {  	s1 =	sld [smem:$0x3FAF]  }
0x28: {  	s2 =	sld [smem:$0x3FB0]  }
0x29: {  	s4 =	sld [smem:$0x3FB2]  }
0x2a: {  	p0 =	seq.s32 s5, $0x0;
	s5 =	sld [smem:$0x3FB3]  }
0x2b: {  	s6 =	sld [smem:$0x3FB4]  }
0x2c: {  	s7 =	sld [smem:$0x3FB5]  }
0x2d: {  	s3 =	simm.s32 $0x108;
	s8 =	sld [smem:$0x3FB6]  }
0x2e: {  	s3 =	simm.s32 @!p0 $0x1082;
	s9 =	sld [smem:$0x3FB7]  }
0x2f: {  	lr =	sadd.s32 s0, s3;
	s0 =	sld [smem:$0x3FAE]  }
0x30: {  	s3 =	sld [smem:$0x3FB1]  }
0x31: {  	[smem:$0x3FBA] =	sst s10  }
0x32: {  	s10 =	sld [smem:$0x3FB8];
	_ =	sdelay $0x3  }
0x33: {  	p0 =	seq.s32 s10, $0x1;
	s10 =	sld [smem:$0x3FBA];
	_ =	sdelay $0x3  }
0x34: {  	[smem:$0x3FBA] =	sst s10  }
0x35: {  	s10 =	sld [smem:$0x3FB9];
	_ =	sdelay $0x3  }
0x36: {  	p1 =	seq.s32 s10, $0x1;
	s10 =	sld [smem:$0x3FBA];
	_ =	sdelay $0x3  }
0x37: {  	[smem:$0x3FBA] =	sst s10  }
0x38: {  	s10 =	sld [smem:$0x3FBB]  }
0x39: {  	_ = 	snop;
	(pc) =	sbr.ind lr, $3  }
0x3a: {  	_ = 	snop  }
0x3b: {  	_ = 	snop  }
0x3c: {  	p2 =	seq.s32 s10, $0x1;
	s10 =	sld [smem:$0x3FBA]  }
0x3d: {  	_ =	shalt  }
0x3e: {  	_ =	shalt  }
0x3f: {  	_ =	shalt  }
0x40: {  	_ =	shalt  }
0x41: {  	_ =	shalt  }
0x42: {  	_ =	shalt  }
0x43: {  	_ =	shalt  }
0x44: {  	_ =	shalt  }
0x45: {  	_ =	shalt  }
0x46: {  	_ =	shalt  }
0x47: {  	_ =	shalt  }
0x48: {  	_ =	shalt  }
0x49: {  	_ =	shalt  }
0x4a: {  	_ =	shalt  }
0x4b: {  	_ =	shalt  }
0x4c: {  	_ =	shalt  }
0x4d: {  	_ =	shalt  }
0x4e: {  	_ =	shalt  }
0x4f: {  	_ =	shalt  }
0x50: {  	_ =	shalt  }
0x51: {  	_ =	shalt  }
0x52: {  	_ =	shalt  }
0x53: {  	_ =	shalt  }
0x54: {  	_ =	shalt  }
0x55: {  	_ =	shalt  }
0x56: {  	_ =	shalt  }
0x57: {  	_ =	shalt  }
0x58: {  	_ =	shalt  }
0x59: {  	_ =	shalt  }
0x5a: {  	_ =	shalt  }
0x5b: {  	_ =	shalt  }
0x5c: {  	_ =	shalt  }
0x5d: {  	_ =	shalt  }
0x5e: {  	_ =	shalt  }
0x5f: {  	_ =	shalt  }
0x60: {  	_ =	shalt  }
0x61: {  	_ =	shalt  }
0x62: {  	_ =	shalt  }
0x63: {  	_ =	shalt  }
0x64: {  	_ =	shalt  }
0x65: {  	_ =	shalt  }
0x66: {  	_ =	shalt  }
0x67: {  	_ =	shalt  }
0x68: {  	_ =	shalt  }
0x69: {  	_ =	shalt  }
0x6a: {  	_ =	shalt  }
0x6b: {  	_ =	shalt  }
0x6c: {  	_ =	shalt  }
0x6d: {  	_ =	shalt  }
0x6e: {  	_ =	shalt  }
0x6f: {  	_ =	shalt  }
0x70: {  	_ =	shalt  }
0x71: {  	_ =	shalt  }
0x72: {  	_ =	shalt  }
0x73: {  	_ =	shalt  }
0x74: {  	_ =	shalt  }
0x75: {  	_ =	shalt  }
0x76: {  	_ =	shalt  }
0x77: {  	_ =	shalt  }
0x78: {  	_ =	shalt  }
0x79: {  	_ =	shalt  }
0x7a: {  	_ =	shalt  }
0x7b: {  	_ =	shalt  }
0x7c: {  	_ =	shalt  }
0x7d: {  	_ =	shalt  }
0x7e: {  	_ =	shalt  }
0x7f: {  	_ =	shalt  }
0x80: {  	_ =	shalt  }
0x81: {  	_ =	shalt  }
0x82: {  	_ =	shalt  }
0x83: {  	_ =	shalt  }
0x84: {  	_ =	shalt  }
0x85: {  	_ =	shalt  }
0x86: {  	_ =	shalt  }
0x87: {  	_ =	shalt  }
.Lfunc_end0:
.L_simem_size_0:
called_computation_lowered:
.L_overlay_start_0:
0x88: {  	s2 =	sld [smem:$0x3FD9]  }
0x89: {  	s3 =	sld [smem:$0x3FFE];
	_ =	sdelay $0x1  }
0x8a: {  	s1 =	srdreg.scid  }
0x8b: {  	s0 =	sand.u32 $0x1, s1  }
0x8c: {  	s17 =	sshll.u32 s0, $0xA;
	s2 =	sadd.s32 s3, s2  }
0x8d: {  	s2 =	sadd.s32 s2, s17  }
0x8e: {  	[smem:$0x3FC6] =	sst s2  }
0x8f: {  	_ = 	snop  }
0x90: {  	s2 =	sld [smem:$0x3FC9]  }
0x91: {  	s18 =	sld [smem:$0x3FC8]  }
0x92: {  	s4 =	sld [smem:$0x3FD0];
	(tm) =	ssettm $0x1  }
0x93: {  	s5 =	sld [smem:$0x3FFB];
	_ =	sdelay $0x3  }
0x94: {  	_ =	strace s5  }
0x95: {  	s5 =	sld [smem:$0x3FFC];
	_ =	sdelay $0x3  }
0x96: {  	_ =	strace s5  }
0x97: {  	s5 =	sld [smem:$0x3FFD];
	_ =	sdelay $0x3  }
0x98: {  	_ =	strace s5  }
0x99: {  	_ =	strace $0x8FFFFFFF  }
0x9a: {  	s19 =	sld [smem:$0x3FDB];
	_ =	sdelay $0x1  }
0x9b: {  	s6 =	simm.s32 $_scs_section_size  }
0x9c: {  	s7 =	simm.s32 $_size__tile_overlayer_lowered;
	s8 =	simm.s32 $_tile_overlayer_lowered  }
0x9d: {  	s22 =	simm.s32 $0x1BFF;
	s21 =	sshll.u32 s8, $0x1;
	s5 =	sadd.s32 s6, s19  }
0x9e: {  	s9 =	simm.s32 $0x0;
	s20 =	sshll.u32 s7, $0x1;
	s7 =	sadd.s32 s21, s5  }
0x9f: {  	[timem:s9], [sflag:s22] =	dma.local [hbm:s7], s20  }
0xa0: {  	_ =	swait.ge [sflag:s22], s20  }
0xa1: {  	s6 =	ssub.s32 $0x0, s20;
	[sflag:s22] =	ssyncset.done $0x0  }
0xa2: {  	[sflag:s22] =	ssyncadd.s32 s6;
	_ =	sdelay $0x1  }
0xa3: {  	s23 =	simm.s32 $0x1B8B  }
0xa4: {  	_ =	swait.ge [sflag:s23], $0x1  }
0xa5: {  	[sflag:s23] =	ssyncset.done $0x0  }
0xa6: {  	s25 =	simm.s32 $0x1B8E;
	s24 =	sld [smem:$0x3FFE];
	[sflag:s23] =	ssyncadd.s32 $0xFFFFFFFF  }
0xa7: {  	s26 =	simm.s32 $execute0_lowered;
	[smem:$0x3FD2] =	sst s25  }
0xa8: {  	s7 =	sshll.u32 s26, $0x1;
	_ =	strace $0x80000046;
	[dreg:$0x1] =	wrdreg $0xFFFFFFFF  }
0xa9: {  	s28 =	simm.s32 $_size_execute0_lowered;
	s5 =	sadd.s32 s5, s7;
	[dreg:$0x0] =	wrdreg $0x0  }
0xaa: {  	s7 =	sshll.u32 s28, $0x1;
	[dreg:$0x2] =	wrdreg s5  }
0xab: {  	[dreg:$0x3] =	wrdreg s7  }
0xac: {  	[dreg:$0x4] =	wrdreg $0xC0  }
0xad: {  	_ =	task [dreg:s9], $0x5FFFF  }
0xae: {  	[dreg:$0x1] =	wrdreg $0xFFFFFFFF  }
0xaf: {  	[dreg:$0x0] =	wrdreg $0x60  }
0xb0: {  	[dreg:$0x2] =	wrdreg s2  }
0xb1: {  	[dreg:$0x3] =	wrdreg s24  }
0xb2: {  	[dreg:$0x4] =	wrdreg s18  }
0xb3: {  	[dreg:$0x5] =	wrdreg s4  }
0xb4: {  	[dreg:$0x6] =	wrdreg $0x9  }
0xb5: {  	_ =	task.clear_ibuf [dreg:s9], $0x7FFFF;
	_ =	strace $0x90000046  }
0xb6: {  	s29 =	simm.s32 $0x9;
	_ =	strace $0x80000048  }
0xb7: {  	_ =	swait.ge [sflag:s29], $0x1  }
0xb8: {  	[sflag:s29] =	ssyncadd.s32 $0xFFFFFFFF  }
0xb9: {  	_ =	strace $0x90000048  }
0xba: {  	_ =	sfence  }
0xbb: {  	s30 =	sld [smem:$0x0];
	_ =	sdelay $0x2  }
0xbc: {  	s31 =	sshll.u32 s1, $0xD;
	s1 =	sshrl.u32 s1, $0x2  }
0xbd: {  	s3 =	sand.u32 $0x4000, s31;
	s1 =	sadd.s32 s1, s30  }
0xbe: {  	s0 =	sor.u32 s3, s0;
	s1 =	sshll.u32 s1, $0x11  }
0xbf: {  	s0 =	sor.u32 s1, s0  }
0xc0: {  	s0 =	sadd.s32 $0x8F2B, s0  }
0xc1: {  	[sflag:s0] =	ssyncadd.remote.s32 $0x1  }
0xc2: {  	_ =	sfence.sel $0xFFFF  }
0xc3: {  	[dreg:$0x0] =	wrdreg $0xFFFFFFFF;
	(pc) =	sbr.abs _section_cstart, $3  }
0xc4: {  	[dreg:$0x1] =	wrdreg $0xFFFFFFFF  }
0xc5: {  	_ =	task.clear_ibuf [dreg:s9], $0x2FFFF;
	_ =	strace $0x9FFFFFFF  }
0xc6: {  	(tm) =	ssettm $0x7FFFFFFF  }
0xc7: {  	_ =	shalt  }
tec
execute0_lowered:
.L_overlay_start_1:
0x0: {  	(tag) =	ssettag $0x1  }
0x1: {  	s6 =	rddreg [dreg:$0x0]  }
0x2: {  	s4 =	rddreg [dreg:$0x1]  }
0x3: {  	s1 =	rddreg [dreg:$0x2]  }
0x4: {  	s8 =	rddreg [dreg:$0x3]  }
0x5: {  	s0 =	rddreg [dreg:$0x4]  }
0x6: {  	s3 =	simm.s32 $0x0;
	s5 =	srdreg.scid;
	s2 =	stileid.u32  }
0x7: {  	s12 =	simm.s32 $0x1;
	s13 =	simm.s32 $0x200;
	s14 =	simm.s32 $0x2  }
0x8: {  	s15 =	simm.s32 $0x300;
	s16 =	simm.s32 $0x3;
	s17 =	simm.s32 $0x4  }
0x9: {  	[smem:$0x7FF] =	sst s3;
	s5 =	sand.u32 $0x1, s5;
	s9 =	sshll.u32 s2, $0x7  }
0xa: {  	s4 =	sadd.s32 $0x800, s4;
	s7 =	ssub.s32 $0x2, s5;
	s5 =	sshll.u32 s5, $0x6  }
0xb: {  	_ =	strace $0x80000047;
	s10 =	sshrl.u32 s7, $0x1;
	s9 =	sor.u32 s5, s9  }
0xc: {  	s10 =	ssub.s32 s7, s10;
	s5 =	sadd.s32 s6, s9;
	s11 =	sor.u32 $0x20, s9  }
0xd: {  	s7 =	sadd.s32 s8, s9;
	s6 =	sadd.s32 s6, s11;
	s8 =	sadd.s32 s8, s11  }
0xe: {  	s9 =	smax.u32 s10, $0x1;
	s10 =	simm.s32 $0x100;
	s11 =	simm.s32 $0x400  }
.LBB2_1:
0xf: {  	[tilespmem:s3], [sflag:$0x1] =	stream.linear.gather [hbm4b:s5+s3], $0x100, $0x38;
	[tilespmem:$0x480] =	vst v63  }
0x10: {  	_ = 	snop  }
0x11: {  	[tilespmem:s10], [sflag:$0x2] =	stream.linear.gather [hbm4b:s6+s3], $0x100, $0x38;
	[tilespmem:$0x480] =	vst v63  }
0x12: {  	_ = 	snop  }
0x13: {  	[tilespmem:s11], [sflag:$0x3] =	stream.linear.gather [hbm4b:s4+s3], $0x80, $0x38;
	[tilespmem:$0x480] =	vst v63  }
0x14: {  	_ =	swait.ge [sflag:s12], $0x100  }
0x15: {  	[sflag:s12] =	ssyncset.done $0x0  }
0x16: {  	[sflag:s12] =	ssyncadd.s32 $0xFFFFFF00  }
0x17: {  	[tilespmem:s13], [sflag:$0x1] =	stream.indirect.gather [hbm4b:s1+s10], $0x1, s3, s10, $0xb8;
	[tilespmem:$0x480] =	vst v63  }
0x18: {  	_ =	swait.ge [sflag:s14], $0x100  }
0x19: {  	[sflag:s14] =	ssyncset.done $0x0  }
0x1a: {  	[sflag:s14] =	ssyncadd.s32 $0xFFFFFF00  }
0x1b: {  	[tilespmem:s15], [sflag:$0x2] =	stream.indirect.gather [hbm4b:s1+s10], $0x1, s10, s10, $0xb8;
	[tilespmem:$0x480] =	vst v63  }
0x1c: {  	_ =	swait.ge [sflag:s16], $0x80  }
0x1d: {  	[sflag:s16] =	ssyncset.done $0x0  }
0x1e: {  	[sflag:s16] =	ssyncadd.s32 $0xFFFFFF80  }
0x1f: {  	v0 =	vld [tilespmem:$0x400];
	_ =	swait.ge [sflag:s12], $0x100  }
0x20: {  	[sflag:s12] =	ssyncset.done $0x0  }
0x21: {  	[sflag:s12] =	ssyncadd.s32 $0xFFFFFF00  }
0x22: {  	v1 =	vld [tilespmem:$0x200]  }
0x23: {  	v2 =	vld [tilespmem:$0x210]  }
0x24: {  	v3 =	vld [tilespmem:$0x220]  }
0x25: {  	v4 =	vld [tilespmem:$0x230]  }
0x26: {  	v5 =	vld [tilespmem:$0x240]  }
0x27: {  	v6 =	vld [tilespmem:$0x250];
	v1 =	vsub.f32 v1, v0  }
0x28: {  	v7 =	vld [tilespmem:$0x260];
	v2 =	vsub.f32 v2, v0  }
0x29: {  	v13 =	vld [tilespmem:$0x270];
	v12 =	vsub.f32 v3, v0;
	[tilespmem:$0x200] =	vst v1  }
0x2a: {  	v15 =	vld [tilespmem:$0x280];
	v14 =	vsub.f32 v4, v0;
	[tilespmem:$0x210] =	vst v2  }
0x2b: {  	v17 =	vld [tilespmem:$0x290];
	v16 =	vsub.f32 v5, v0;
	[tilespmem:$0x220] =	vst v12  }
0x2c: {  	v19 =	vld [tilespmem:$0x2A0];
	v18 =	vsub.f32 v6, v0;
	[tilespmem:$0x230] =	vst v14  }
0x2d: {  	v21 =	vld [tilespmem:$0x2B0];
	v20 =	vsub.f32 v7, v0;
	[tilespmem:$0x240] =	vst v16  }
0x2e: {  	v23 =	vld [tilespmem:$0x2C0];
	v22 =	vsub.f32 v13, v0;
	[tilespmem:$0x250] =	vst v18  }
0x2f: {  	v25 =	vld [tilespmem:$0x2D0];
	v24 =	vsub.f32 v15, v0;
	[tilespmem:$0x260] =	vst v20  }
0x30: {  	v27 =	vld [tilespmem:$0x2E0];
	v26 =	vsub.f32 v17, v0;
	[tilespmem:$0x270] =	vst v22  }
0x31: {  	v29 =	vld [tilespmem:$0x2F0];
	v28 =	vsub.f32 v19, v0;
	[tilespmem:$0x280] =	vst v24  }
0x32: {  	v30 =	vsub.f32 v21, v0;
	[tilespmem:$0x290] =	vst v26  }
0x33: {  	v31 =	vsub.f32 v23, v0;
	[tilespmem:$0x2A0] =	vst v28  }
0x34: {  	v32 =	vsub.f32 v25, v0;
	[tilespmem:$0x2B0] =	vst v30  }
0x35: {  	v33 =	vsub.f32 v27, v0;
	[tilespmem:$0x2C0] =	vst v31  }
0x36: {  	v34 =	vsub.f32 v29, v0;
	[tilespmem:$0x2D0] =	vst v32  }
0x37: {  	[tilespmem:$0x2E0] =	vst v33  }
0x38: {  	[tilespmem:$0x2F0] =	vst v34  }
0x39: {  	[hbm4b:s7+s3] =	stream.linear.scatter [tilespmem:s13], [sflag:$0x4], $0x100, $0x38;
	[tilespmem:$0x480] =	vst v63  }
0x3a: {  	_ =	swait.ge [sflag:s14], $0x100  }
0x3b: {  	[sflag:s14] =	ssyncset.done $0x0  }
0x3c: {  	[sflag:s14] =	ssyncadd.s32 $0xFFFFFF00  }
0x3d: {  	v35 =	vld [tilespmem:$0x300]  }
0x3e: {  	v36 =	vld [tilespmem:$0x310]  }
0x3f: {  	v37 =	vld [tilespmem:$0x320]  }
0x40: {  	v38 =	vld [tilespmem:$0x330]  }
0x41: {  	v39 =	vld [tilespmem:$0x340]  }
0x42: {  	v40 =	vld [tilespmem:$0x350];
	v1 =	vsub.f32 v35, v0  }
0x43: {  	v41 =	vld [tilespmem:$0x360];
	v2 =	vsub.f32 v36, v0  }
0x44: {  	v43 =	vld [tilespmem:$0x370];
	v42 =	vsub.f32 v37, v0;
	[tilespmem:$0x300] =	vst v1  }
0x45: {  	v45 =	vld [tilespmem:$0x380];
	v44 =	vsub.f32 v38, v0;
	[tilespmem:$0x310] =	vst v2  }
0x46: {  	v47 =	vld [tilespmem:$0x390];
	v46 =	vsub.f32 v39, v0;
	[tilespmem:$0x320] =	vst v42  }
0x47: {  	v49 =	vld [tilespmem:$0x3A0];
	v48 =	vsub.f32 v40, v0;
	[tilespmem:$0x330] =	vst v44  }
0x48: {  	v51 =	vld [tilespmem:$0x3B0];
	v50 =	vsub.f32 v41, v0;
	[tilespmem:$0x340] =	vst v46  }
0x49: {  	v53 =	vld [tilespmem:$0x3C0];
	v52 =	vsub.f32 v43, v0;
	[tilespmem:$0x350] =	vst v48  }
0x4a: {  	v55 =	vld [tilespmem:$0x3D0];
	v54 =	vsub.f32 v45, v0;
	[tilespmem:$0x360] =	vst v50  }
0x4b: {  	v57 =	vld [tilespmem:$0x3E0];
	v56 =	vsub.f32 v47, v0;
	[tilespmem:$0x370] =	vst v52  }
0x4c: {  	v59 =	vld [tilespmem:$0x3F0];
	v58 =	vsub.f32 v49, v0;
	[tilespmem:$0x380] =	vst v54  }
0x4d: {  	v60 =	vsub.f32 v51, v0;
	[tilespmem:$0x390] =	vst v56  }
0x4e: {  	v61 =	vsub.f32 v53, v0;
	[tilespmem:$0x3A0] =	vst v58  }
0x4f: {  	v62 =	vsub.f32 v55, v0;
	[tilespmem:$0x3B0] =	vst v60  }
0x50: {  	v63 =	vsub.f32 v57, v0;
	[tilespmem:$0x3C0] =	vst v61  }
0x51: {  	v0 =	vsub.f32 v59, v0;
	[tilespmem:$0x3D0] =	vst v62  }
0x52: {  	[tilespmem:$0x3E0] =	vst v63  }
0x53: {  	[tilespmem:$0x3F0] =	vst v0  }
0x54: {  	[hbm4b:s8+s3] =	stream.linear.scatter [tilespmem:s15], [sflag:$0x4], $0x100, $0x38;
	[tilespmem:$0x480] =	vst v63  }
0x55: {  	p0 =	sne.s32 s9, $0x1;
	_ =	swait.ge [sflag:s17], $0x100  }
.Ltmp0:
0x56: {  	[sflag:s17] =	ssyncset.done $0x0;
	(pc) =	sbr.rel @p0 .LBB2_1-.Ltmp0, $4  }
0x57: {  	[sflag:s17] =	ssyncadd.s32 $0xFFFFFF00  }
0x58: {  	_ =	swait.ge [sflag:s17], $0x100  }
0x59: {  	[sflag:s17] =	ssyncset.done $0x0  }
0x5a: {  	s9 =	sadd.s32 $0xFFFFFFFF, s9;
	[sflag:s17] =	ssyncadd.s32 $0xFFFFFF00  }
0x5b: {  	_ =	sfence.sel $0x180000  }
0x5c: {  	[bflag:$0x0] =	sbarrier.arrive $0xFFFF  }
0x5d: {  	p0 =	sne.s32 s2, $0x0;
	_ =	strace $0x90000047  }
0x5e: {  	s0 =	sadd.s32 @!p0 $0x100000, s0;
	[bflag:$0x2] =	sbarrier.arrive $0xFFFF  }
0x5f: {  	[sflag:s0] =	ssyncadd.tile.s32 @!p0 $0x1;
	_ =	shalt  }
.Lfunc_end2:
_tile_overlayer_lowered:
.L_overlay_start_2:
0x60: {  	(tag) =	ssettag $0x2  }
0x61: {  	s0 =	rddreg [dreg:$0x0];
	s2 =	stileid.u32  }
0x62: {  	s1 =	rddreg [dreg:$0x1];
	p0 =	sne.s32 s2, $0x0  }
0x63: {  	s3 =	rddreg [dreg:$0x2];
	[bflag:$0x3] =	sbarrier.arrive $0xFFFF;
	s2 =	simm.s32 @!p0 $0x1C05  }
0x64: {  	[timem:s3], [sflag:s2] =	dma.local @!p0 [hbm:s0], s1  }
0x65: {  	s0 =	simm.s32 @!p0 $0x5  }
0x66: {  	_ =	swait.ge @!p0 [sflag:s0], s1  }
0x67: {  	s1 =	ssub.s32 @!p0 $0x0, s1;
	[sflag:s0] =	ssyncset.done @!p0 $0x0  }
0x68: {  	[sflag:s0] =	ssyncadd.s32 @!p0 s1  }
0x69: {  	[bflag:$0x3] =	sbarrier.arrive $0xFFFF  }
0x6a: {  	_ =	shalt  }

</sc_bundles>
